<compile_context>
chip_gen: v7x
topology: tpu7x:2x2x1
jax: 0.10.2.dev20260603
libtpu: 0.0.44.dev20260713+nightly
codegen_flags: <defaults>
</compile_context>

<pallas_src>
import jax
import jax.numpy as jnp
from jax import lax
from jax.experimental import pallas as pl
from jax.experimental.pallas import tpu as pltpu
from jax.experimental.pallas import tpu_sc as plsc

NUM_CORES = 2
NUM_SUBCORES = 16
NW = NUM_CORES * NUM_SUBCORES

AW = 32768


def _make_gather_kernel(S, B, D, Vpos):
    assert B % NW == 0
    bw = B // NW
    mesh = plsc.VectorSubcoreMesh(core_axis_name="c", subcore_axis_name="s")

    def body(tok_hbm, table_hbm, out_hbm, idx_v, rows_v, gsem, wsem0, wsem1):
        wid = lax.axis_index("s") * NUM_CORES + lax.axis_index("c")
        b0 = wid * bw
        wsems = [wsem0, wsem1]
        pltpu.sync_copy(tok_hbm.at[:, pl.ds(b0, bw)], idx_v)

        def outer(t, carry):
            for p in range(2):
                s = t * 2 + p

                @pl.when(t > 0)
                def _():
                    pltpu.make_async_copy(
                        rows_v.at[p],
                        out_hbm.at[0, pl.ds(b0, bw), :],
                        wsems[p],
                    ).wait()

                pltpu.async_copy(
                    table_hbm.at[idx_v.at[s]], rows_v.at[p], gsem
                ).wait()
                pltpu.async_copy(
                    rows_v.at[p], out_hbm.at[s, pl.ds(b0, bw), :], wsems[p]
                )
            return carry

        lax.fori_loop(0, S // 2, outer, 0)
        for p in range(2):
            pltpu.make_async_copy(
                rows_v.at[p], out_hbm.at[0, pl.ds(b0, bw), :], wsems[p]
            ).wait()

    return pl.kernel(
        body,
        out_type=jax.ShapeDtypeStruct((S, B, D), jnp.float32),
        mesh=mesh,
        scratch_types=[
            pltpu.VMEM((S, bw), jnp.int32),
            pltpu.VMEM((2, bw, D), jnp.float32),
            pltpu.SemaphoreType.DMA,
            pltpu.SemaphoreType.DMA,
            pltpu.SemaphoreType.DMA,
        ],
        compiler_params=pltpu.CompilerParams(use_tc_tiling_on_sc=False),
    )


def _make_table_transpose(V, D):
    rb = AW // (128 // D)
    nblk = pl.cdiv(V, AW)

    def body(x_ref, o_ref):
        t = jnp.swapaxes(x_ref[...], 0, 1)
        t4 = t.reshape(128 // D, rb, D)
        o_ref[...] = jnp.concatenate([t4[i] for i in range(128 // D)], axis=1)

    return pl.pallas_call(
        body,
        grid=(nblk,),
        in_specs=[pl.BlockSpec((D, AW), lambda j: (0, j))],
        out_specs=pl.BlockSpec((rb, 128), lambda j: (j, 0)),
        out_shape=jax.ShapeDtypeStruct((nblk * rb, 128), jnp.float32),
    )


def _make_out_transpose(S, B, D):
    rbc = B * D // 128
    r = 128 // D

    def body(x_ref, o_ref):
        z = jnp.swapaxes(x_ref[...], 0, 1)
        z3 = z.reshape(r, D, rbc)
        o_ref[...] = jnp.concatenate([z3[i] for i in range(r)], axis=1)[None]

    return pl.pallas_call(
        body,
        grid=(S,),
        in_specs=[pl.BlockSpec((rbc, 128), lambda s: (s, 0))],
        out_specs=pl.BlockSpec((1, D, B), lambda s: (s, 0, 0)),
        out_shape=jax.ShapeDtypeStruct((S, D, B), jnp.float32),
    )


def kernel(token_ids, E):
    Bt, S = token_ids.shape
    V, D = E.shape
    r = 128 // D
    rb = AW // r
    rbc = Bt // r

    tok_t = jnp.swapaxes(token_ids.astype(jnp.int32), 0, 1)
    tok_p = jnp.transpose(tok_t.reshape(S, r, rbc), (0, 2, 1)).reshape(S, Bt)
    u = tok_p % AW
    idx = (tok_p - u) + (r * (u % rb) + u // rb).astype(jnp.int32)

    et = jnp.swapaxes(E, 0, 1)
    tbl = _make_table_transpose(V, D)(et)
    table = tbl.reshape(tbl.shape[0] * r, D)
    mid = _make_gather_kernel(S, Bt, D, table.shape[0])(idx, table)
    x2 = mid.reshape(S * Bt * D // 128, 128)
    out3 = _make_out_transpose(S, Bt, D)(x2)
    return jnp.transpose(out3, (2, 0, 1))

# --- scband reference (transcript-rebuilt; emitter-appended) ---
"""Pipeline reference for scband-embedding-48455821033776 (READ-ONLY COPY).

The authoritative reference and input builder live on the scoring server;
editing this copy changes nothing except your own understanding.
"""

import jax, jax.numpy as jnp
import numpy as np

NUM_EMBEDDINGS = 1000000
EMBEDDING_DIM = 32

def setup_inputs(seed: int = 0) -> dict:
    key = jax.random.key(seed)
    k_idx, k_tab = jax.random.split(key)
    token_ids = jax.random.randint(k_idx, (16384, 50), 0, NUM_EMBEDDINGS, dtype=jnp.int64 if jax.config.jax_enable_x64 else jnp.int32)
    # truncated normal init like nn.init.trunc_normal_ (std=1.0, bounds [-2, 2])
    E = jax.random.truncated_normal(k_tab, -2.0, 2.0, (NUM_EMBEDDINGS, EMBEDDING_DIM), dtype=jnp.float32)
    return {"token_ids": token_ids, "E": E}

def reference(token_ids, E):
    # Faithful translation of: return self.E[token_ids]
    return jnp.take(E, token_ids, axis=0)

if __name__ == "__main__":
    import jax
    _d = setup_inputs()
    print(jax.jit(kernel)(*tuple(_d.values())))

</pallas_src>

<mosaic_0001>
#map = affine_map<(d0, d1) -> (0, 0)>
#map1 = affine_map<(d0, d1) -> (0, 0, 0)>
module attributes {stable_mosaic.version = 14 : i64} {
  func.func @body(%arg0: i32, %arg1: i32, %arg2: memref<50x16384xi32, #tpu.memory_space<hbm>>, %arg3: memref<1015808x32xf32, #tpu.memory_space<hbm>>, %arg4: memref<50x16384x32xf32, #tpu.memory_space<hbm>>, %arg5: memref<50x512xi32, #tpu.memory_space<vmem>>, %arg6: memref<2x512x32xf32, #tpu.memory_space<vmem>>, %arg7: memref<!tpu.dma_semaphore, #tpu.memory_space<semaphore_mem>>, %arg8: memref<!tpu.dma_semaphore, #tpu.memory_space<semaphore_mem>>, %arg9: memref<!tpu.dma_semaphore, #tpu.memory_space<semaphore_mem>>) attributes {dimension_semantics = [#tpu.dimension_semantics<core_parallel>, #tpu.dimension_semantics<subcore_parallel>], iteration_bounds = array<i64: 2, 16>, scalar_prefetch = 0 : i64, scratch_operands = 5 : i64, tpu.core_type = #tpu.core_type<sc_vector_subcore>, window_params = [{transform_indices = #map}, {transform_indices = #map}, {transform_indices = #map1}]} {
    %mul3A = arith.constant 2 : i32
    %mul3A_0 = arith.muli %arg1, %mul3A : i32
    %add3A = arith.addi %mul3A_0, %arg0 : i32
    %mul3A_1 = arith.constant 512 : i32
    %mul3A_2 = arith.muli %add3A, %mul3A_1 : i32
    "tpu.region"() ({
      %run_scoped3A = tpu.sem_alloc : memref<!tpu.dma_semaphore, #tpu.memory_space<semaphore_mem>>
      %dma_start3A = arith.constant 0 : i32
      %dma_start3A_39 = tpu.memref_slice %arg2[%dma_start3A, %mul3A_2] : memref<50x16384xi32, #tpu.memory_space<hbm>> -> memref<50x512xi32, #tpu.memory_space<hbm>>
      %dma_start3A_40 = arith.constant 0 : i32
      %dma_start3A_41 = tpu.memref_slice %arg2[%dma_start3A_40, %mul3A_2] : memref<50x16384xi32, #tpu.memory_space<hbm>> -> memref<50x512xi32, #tpu.memory_space<hbm>>
      tpu.enqueue_dma source(%dma_start3A_41 : memref<50x512xi32, #tpu.memory_space<hbm>>) target(%arg5 : memref<50x512xi32, #tpu.memory_space<vmem>>) target_semaphore(%run_scoped3A : memref<!tpu.dma_semaphore, #tpu.memory_space<semaphore_mem>>)
      %dma_wait3A_42 = arith.constant 0 : i32
      %dma_wait3A_43 = tpu.memref_slice %arg2[%dma_wait3A_42, %mul3A_2] : memref<50x16384xi32, #tpu.memory_space<hbm>> -> memref<50x512xi32, #tpu.memory_space<hbm>>
      %dma_wait3A_44 = arith.constant 0 : i32
      %dma_wait3A_45 = tpu.memref_slice %arg2[%dma_wait3A_44, %mul3A_2] : memref<50x16384xi32, #tpu.memory_space<hbm>> -> memref<50x512xi32, #tpu.memory_space<hbm>>
      tpu.wait_dma2 semaphore(%run_scoped3A : memref<!tpu.dma_semaphore, #tpu.memory_space<semaphore_mem>>) src(%dma_wait3A_45 : memref<50x512xi32, #tpu.memory_space<hbm>>) dst(%arg5 : memref<50x512xi32, #tpu.memory_space<vmem>>)
      tpu.yield
    }) : () -> ()
    %scan3A = arith.constant 0 : i32
    %scan3A_3 = arith.constant 0 : i32
    %scan3A_4 = arith.constant 25 : i32
    %scan3A_5 = arith.addi %scan3A_3, %scan3A_4 : i32
    %scan3A_6 = arith.constant 1 : i32
    scf.for %scan3A_39 = %scan3A_3 to %scan3A_5 step %scan3A_6  : i32 {
      %mul3A_40 = arith.constant 2 : i32
      %mul3A_41 = arith.muli %scan3A_39, %mul3A_40 : i32
      %add3A_42 = arith.constant 0 : i32
      %add3A_43 = arith.addi %mul3A_41, %add3A_42 : i32
      %gt3A = arith.constant 0 : i32
      %gt3A_44 = arith.cmpi sgt, %scan3A_39, %gt3A : i32
      %convert_element_type3A = arith.extui %gt3A_44 : i1 to i32
      %cond3A = arith.constant 0 : i32
      %cond3A_45 = arith.cmpi ne, %convert_element_type3A, %cond3A : i32
      scf.if %cond3A_45 {
        %dma_wait3A_128 = arith.constant 0 : i32
        %dma_wait3A_129 = arith.constant 0 : i32
        %dma_wait3A_130 = arith.constant 0 : i32
        %dma_wait3A_131 = arith.constant 0 : i32
        %dma_wait3A_132 = tpu.memref_slice %arg6[%dma_wait3A_128, %dma_wait3A_130, %dma_wait3A_131] : memref<2x512x32xf32, #tpu.memory_space<vmem>> -> memref<1x512x32xf32, #tpu.memory_space<vmem>>
        %dma_wait3A_133 = tpu.memref_squeeze %dma_wait3A_132 : memref<1x512x32xf32, #tpu.memory_space<vmem>> -> memref<512x32xf32, #tpu.memory_space<vmem>>
        %dma_wait3A_134 = arith.constant 0 : i32
        %dma_wait3A_135 = tpu.memref_slice %arg4[%dma_wait3A_129, %mul3A_2, %dma_wait3A_134] : memref<50x16384x32xf32, #tpu.memory_space<hbm>> -> memref<1x512x32xf32, #tpu.memory_space<hbm>>
        %dma_wait3A_136 = tpu.memref_squeeze %dma_wait3A_135 : memref<1x512x32xf32, #tpu.memory_space<hbm>> -> memref<512x32xf32, #tpu.memory_space<hbm>>
        %dma_wait3A_137 = arith.constant 0 : i32
        %dma_wait3A_138 = tpu.memref_slice %arg4[%dma_wait3A_129, %mul3A_2, %dma_wait3A_137] : memref<50x16384x32xf32, #tpu.memory_space<hbm>> -> memref<1x512x32xf32, #tpu.memory_space<hbm>>
        %dma_wait3A_139 = tpu.memref_squeeze %dma_wait3A_138 : memref<1x512x32xf32, #tpu.memory_space<hbm>> -> memref<512x32xf32, #tpu.memory_space<hbm>>
        %dma_wait3A_140 = arith.constant 0 : i32
        %dma_wait3A_141 = arith.constant 0 : i32
        %dma_wait3A_142 = tpu.memref_slice %arg6[%dma_wait3A_128, %dma_wait3A_140, %dma_wait3A_141] : memref<2x512x32xf32, #tpu.memory_space<vmem>> -> memref<1x512x32xf32, #tpu.memory_space<vmem>>
        %dma_wait3A_143 = tpu.memref_squeeze %dma_wait3A_142 : memref<1x512x32xf32, #tpu.memory_space<vmem>> -> memref<512x32xf32, #tpu.memory_space<vmem>>
        tpu.wait_dma2 semaphore(%arg8 : memref<!tpu.dma_semaphore, #tpu.memory_space<semaphore_mem>>) src(%dma_wait3A_143 : memref<512x32xf32, #tpu.memory_space<vmem>>) dst(%dma_wait3A_139 : memref<512x32xf32, #tpu.memory_space<hbm>>)
      } else {
      }
      %dma_start3A = arith.constant 0 : i32
      %dma_start3A_46 = arith.constant 0 : i32
      %dma_start3A_47 = arith.constant 0 : i32
      %dma_start3A_48 = tpu.memref_slice %arg6[%dma_start3A, %dma_start3A_46, %dma_start3A_47] : memref<2x512x32xf32, #tpu.memory_space<vmem>> -> memref<1x512x32xf32, #tpu.memory_space<vmem>>
      %dma_start3A_49 = tpu.memref_squeeze %dma_start3A_48 : memref<1x512x32xf32, #tpu.memory_space<vmem>> -> memref<512x32xf32, #tpu.memory_space<vmem>>
      %dma_start3A_50 = arith.constant 0 : i32
      %dma_start3A_51 = tpu.memref_slice %arg5[%add3A_43, %dma_start3A_50] : memref<50x512xi32, #tpu.memory_space<vmem>> -> memref<1x512xi32, #tpu.memory_space<vmem>>
      %dma_start3A_52 = tpu.memref_squeeze %dma_start3A_51 : memref<1x512xi32, #tpu.memory_space<vmem>> -> memref<512xi32, #tpu.memory_space<vmem>>
      %dma_start3A_53 = arith.constant 0 : i32
      %dma_start3A_54 = arith.constant 0 : i32
      %dma_start3A_55 = tpu.memref_slice %arg3[%dma_start3A_53, %dma_start3A_54] : memref<1015808x32xf32, #tpu.memory_space<hbm>> -> memref<1015808x32xf32, #tpu.memory_space<hbm>>
      tpu.enqueue_indirect_dma source(%dma_start3A_55 : memref<1015808x32xf32, #tpu.memory_space<hbm>>) target(%dma_start3A_49 : memref<512x32xf32, #tpu.memory_space<vmem>>) offsets(%dma_start3A_52 : memref<512xi32, #tpu.memory_space<vmem>>) semaphore(%arg7 : memref<!tpu.dma_semaphore, #tpu.memory_space<semaphore_mem>>)
      %dma_wait3A_56 = arith.constant 0 : i32
      %dma_wait3A_57 = arith.constant 0 : i32
      %dma_wait3A_58 = arith.constant 0 : i32
      %dma_wait3A_59 = tpu.memref_slice %arg6[%dma_wait3A_56, %dma_wait3A_57, %dma_wait3A_58] : memref<2x512x32xf32, #tpu.memory_space<vmem>> -> memref<1x512x32xf32, #tpu.memory_space<vmem>>
      %dma_wait3A_60 = tpu.memref_squeeze %dma_wait3A_59 : memref<1x512x32xf32, #tpu.memory_space<vmem>> -> memref<512x32xf32, #tpu.memory_space<vmem>>
      %dma_wait3A_61 = arith.constant 0 : i32
      %dma_wait3A_62 = tpu.memref_slice %arg5[%add3A_43, %dma_wait3A_61] : memref<50x512xi32, #tpu.memory_space<vmem>> -> memref<1x512xi32, #tpu.memory_space<vmem>>
      %dma_wait3A_63 = tpu.memref_squeeze %dma_wait3A_62 : memref<1x512xi32, #tpu.memory_space<vmem>> -> memref<512xi32, #tpu.memory_space<vmem>>
      %dma_wait3A_64 = arith.constant 0 : i32
      %dma_wait3A_65 = arith.constant 0 : i32
      %dma_wait3A_66 = tpu.memref_slice %arg3[%dma_wait3A_64, %dma_wait3A_65] : memref<1015808x32xf32, #tpu.memory_space<hbm>> -> memref<1015808x32xf32, #tpu.memory_space<hbm>>
      tpu.wait_indirect_dma semaphore(%arg7 : memref<!tpu.dma_semaphore, #tpu.memory_space<semaphore_mem>>) src(%dma_wait3A_66 : memref<1015808x32xf32, #tpu.memory_space<hbm>>) dst(%dma_wait3A_60 : memref<512x32xf32, #tpu.memory_space<vmem>>)
      %dma_start3A_67 = arith.constant 0 : i32
      %dma_start3A_68 = arith.constant 0 : i32
      %dma_start3A_69 = arith.constant 0 : i32
      %dma_start3A_70 = tpu.memref_slice %arg6[%dma_start3A_67, %dma_start3A_68, %dma_start3A_69] : memref<2x512x32xf32, #tpu.memory_space<vmem>> -> memref<1x512x32xf32, #tpu.memory_space<vmem>>
      %dma_start3A_71 = tpu.memref_squeeze %dma_start3A_70 : memref<1x512x32xf32, #tpu.memory_space<vmem>> -> memref<512x32xf32, #tpu.memory_space<vmem>>
      %dma_start3A_72 = arith.constant 0 : i32
      %dma_start3A_73 = tpu.memref_slice %arg4[%add3A_43, %mul3A_2, %dma_start3A_72] : memref<50x16384x32xf32, #tpu.memory_space<hbm>> -> memref<1x512x32xf32, #tpu.memory_space<hbm>>
      %dma_start3A_74 = tpu.memref_squeeze %dma_start3A_73 : memref<1x512x32xf32, #tpu.memory_space<hbm>> -> memref<512x32xf32, #tpu.memory_space<hbm>>
      %dma_start3A_75 = arith.constant 0 : i32
      %dma_start3A_76 = tpu.memref_slice %arg4[%add3A_43, %mul3A_2, %dma_start3A_75] : memref<50x16384x32xf32, #tpu.memory_space<hbm>> -> memref<1x512x32xf32, #tpu.memory_space<hbm>>
      %dma_start3A_77 = tpu.memref_squeeze %dma_start3A_76 : memref<1x512x32xf32, #tpu.memory_space<hbm>> -> memref<512x32xf32, #tpu.memory_space<hbm>>
      %dma_start3A_78 = arith.constant 0 : i32
      %dma_start3A_79 = arith.constant 0 : i32
      %dma_start3A_80 = tpu.memref_slice %arg6[%dma_start3A_67, %dma_start3A_78, %dma_start3A_79] : memref<2x512x32xf32, #tpu.memory_space<vmem>> -> memref<1x512x32xf32, #tpu.memory_space<vmem>>
      %dma_start3A_81 = tpu.memref_squeeze %dma_start3A_80 : memref<1x512x32xf32, #tpu.memory_space<vmem>> -> memref<512x32xf32, #tpu.memory_space<vmem>>
      tpu.enqueue_dma source(%dma_start3A_81 : memref<512x32xf32, #tpu.memory_space<vmem>>) target(%dma_start3A_77 : memref<512x32xf32, #tpu.memory_space<hbm>>) target_semaphore(%arg8 : memref<!tpu.dma_semaphore, #tpu.memory_space<semaphore_mem>>)
      %mul3A_82 = arith.constant 2 : i32
      %mul3A_83 = arith.muli %scan3A_39, %mul3A_82 : i32
      %add3A_84 = arith.constant 1 : i32
      %add3A_85 = arith.addi %mul3A_83, %add3A_84 : i32
      %gt3A_86 = arith.constant 0 : i32
      %gt3A_87 = arith.cmpi sgt, %scan3A_39, %gt3A_86 : i32
      %convert_element_type3A_88 = arith.extui %gt3A_87 : i1 to i32
      %cond3A_89 = arith.constant 0 : i32
      %cond3A_90 = arith.cmpi ne, %convert_element_type3A_88, %cond3A_89 : i32
      scf.if %cond3A_90 {
        %dma_wait3A_128 = arith.constant 1 : i32
        %dma_wait3A_129 = arith.constant 0 : i32
        %dma_wait3A_130 = arith.constant 0 : i32
        %dma_wait3A_131 = arith.constant 0 : i32
        %dma_wait3A_132 = tpu.memref_slice %arg6[%dma_wait3A_128, %dma_wait3A_130, %dma_wait3A_131] : memref<2x512x32xf32, #tpu.memory_space<vmem>> -> memref<1x512x32xf32, #tpu.memory_space<vmem>>
        %dma_wait3A_133 = tpu.memref_squeeze %dma_wait3A_132 : memref<1x512x32xf32, #tpu.memory_space<vmem>> -> memref<512x32xf32, #tpu.memory_space<vmem>>
        %dma_wait3A_134 = arith.constant 0 : i32
        %dma_wait3A_135 = tpu.memref_slice %arg4[%dma_wait3A_129, %mul3A_2, %dma_wait3A_134] : memref<50x16384x32xf32, #tpu.memory_space<hbm>> -> memref<1x512x32xf32, #tpu.memory_space<hbm>>
        %dma_wait3A_136 = tpu.memref_squeeze %dma_wait3A_135 : memref<1x512x32xf32, #tpu.memory_space<hbm>> -> memref<512x32xf32, #tpu.memory_space<hbm>>
        %dma_wait3A_137 = arith.constant 0 : i32
        %dma_wait3A_138 = tpu.memref_slice %arg4[%dma_wait3A_129, %mul3A_2, %dma_wait3A_137] : memref<50x16384x32xf32, #tpu.memory_space<hbm>> -> memref<1x512x32xf32, #tpu.memory_space<hbm>>
        %dma_wait3A_139 = tpu.memref_squeeze %dma_wait3A_138 : memref<1x512x32xf32, #tpu.memory_space<hbm>> -> memref<512x32xf32, #tpu.memory_space<hbm>>
        %dma_wait3A_140 = arith.constant 0 : i32
        %dma_wait3A_141 = arith.constant 0 : i32
        %dma_wait3A_142 = tpu.memref_slice %arg6[%dma_wait3A_128, %dma_wait3A_140, %dma_wait3A_141] : memref<2x512x32xf32, #tpu.memory_space<vmem>> -> memref<1x512x32xf32, #tpu.memory_space<vmem>>
        %dma_wait3A_143 = tpu.memref_squeeze %dma_wait3A_142 : memref<1x512x32xf32, #tpu.memory_space<vmem>> -> memref<512x32xf32, #tpu.memory_space<vmem>>
        tpu.wait_dma2 semaphore(%arg9 : memref<!tpu.dma_semaphore, #tpu.memory_space<semaphore_mem>>) src(%dma_wait3A_143 : memref<512x32xf32, #tpu.memory_space<vmem>>) dst(%dma_wait3A_139 : memref<512x32xf32, #tpu.memory_space<hbm>>)
      } else {
      }
      %dma_start3A_91 = arith.constant 1 : i32
      %dma_start3A_92 = arith.constant 0 : i32
      %dma_start3A_93 = arith.constant 0 : i32
      %dma_start3A_94 = tpu.memref_slice %arg6[%dma_start3A_91, %dma_start3A_92, %dma_start3A_93] : memref<2x512x32xf32, #tpu.memory_space<vmem>> -> memref<1x512x32xf32, #tpu.memory_space<vmem>>
      %dma_start3A_95 = tpu.memref_squeeze %dma_start3A_94 : memref<1x512x32xf32, #tpu.memory_space<vmem>> -> memref<512x32xf32, #tpu.memory_space<vmem>>
      %dma_start3A_96 = arith.constant 0 : i32
      %dma_start3A_97 = tpu.memref_slice %arg5[%add3A_85, %dma_start3A_96] : memref<50x512xi32, #tpu.memory_space<vmem>> -> memref<1x512xi32, #tpu.memory_space<vmem>>
      %dma_start3A_98 = tpu.memref_squeeze %dma_start3A_97 : memref<1x512xi32, #tpu.memory_space<vmem>> -> memref<512xi32, #tpu.memory_space<vmem>>
      %dma_start3A_99 = arith.constant 0 : i32
      %dma_start3A_100 = arith.constant 0 : i32
      %dma_start3A_101 = tpu.memref_slice %arg3[%dma_start3A_99, %dma_start3A_100] : memref<1015808x32xf32, #tpu.memory_space<hbm>> -> memref<1015808x32xf32, #tpu.memory_space<hbm>>
      tpu.enqueue_indirect_dma source(%dma_start3A_101 : memref<1015808x32xf32, #tpu.memory_space<hbm>>) target(%dma_start3A_95 : memref<512x32xf32, #tpu.memory_space<vmem>>) offsets(%dma_start3A_98 : memref<512xi32, #tpu.memory_space<vmem>>) semaphore(%arg7 : memref<!tpu.dma_semaphore, #tpu.memory_space<semaphore_mem>>)
      %dma_wait3A_102 = arith.constant 1 : i32
      %dma_wait3A_103 = arith.constant 0 : i32
      %dma_wait3A_104 = arith.constant 0 : i32
      %dma_wait3A_105 = tpu.memref_slice %arg6[%dma_wait3A_102, %dma_wait3A_103, %dma_wait3A_104] : memref<2x512x32xf32, #tpu.memory_space<vmem>> -> memref<1x512x32xf32, #tpu.memory_space<vmem>>
      %dma_wait3A_106 = tpu.memref_squeeze %dma_wait3A_105 : memref<1x512x32xf32, #tpu.memory_space<vmem>> -> memref<512x32xf32, #tpu.memory_space<vmem>>
      %dma_wait3A_107 = arith.constant 0 : i32
      %dma_wait3A_108 = tpu.memref_slice %arg5[%add3A_85, %dma_wait3A_107] : memref<50x512xi32, #tpu.memory_space<vmem>> -> memref<1x512xi32, #tpu.memory_space<vmem>>
      %dma_wait3A_109 = tpu.memref_squeeze %dma_wait3A_108 : memref<1x512xi32, #tpu.memory_space<vmem>> -> memref<512xi32, #tpu.memory_space<vmem>>
      %dma_wait3A_110 = arith.constant 0 : i32
      %dma_wait3A_111 = arith.constant 0 : i32
      %dma_wait3A_112 = tpu.memref_slice %arg3[%dma_wait3A_110, %dma_wait3A_111] : memref<1015808x32xf32, #tpu.memory_space<hbm>> -> memref<1015808x32xf32, #tpu.memory_space<hbm>>
      tpu.wait_indirect_dma semaphore(%arg7 : memref<!tpu.dma_semaphore, #tpu.memory_space<semaphore_mem>>) src(%dma_wait3A_112 : memref<1015808x32xf32, #tpu.memory_space<hbm>>) dst(%dma_wait3A_106 : memref<512x32xf32, #tpu.memory_space<vmem>>)
      %dma_start3A_113 = arith.constant 1 : i32
      %dma_start3A_114 = arith.constant 0 : i32
      %dma_start3A_115 = arith.constant 0 : i32
      %dma_start3A_116 = tpu.memref_slice %arg6[%dma_start3A_113, %dma_start3A_114, %dma_start3A_115] : memref<2x512x32xf32, #tpu.memory_space<vmem>> -> memref<1x512x32xf32, #tpu.memory_space<vmem>>
      %dma_start3A_117 = tpu.memref_squeeze %dma_start3A_116 : memref<1x512x32xf32, #tpu.memory_space<vmem>> -> memref<512x32xf32, #tpu.memory_space<vmem>>
      %dma_start3A_118 = arith.constant 0 : i32
      %dma_start3A_119 = tpu.memref_slice %arg4[%add3A_85, %mul3A_2, %dma_start3A_118] : memref<50x16384x32xf32, #tpu.memory_space<hbm>> -> memref<1x512x32xf32, #tpu.memory_space<hbm>>
      %dma_start3A_120 = tpu.memref_squeeze %dma_start3A_119 : memref<1x512x32xf32, #tpu.memory_space<hbm>> -> memref<512x32xf32, #tpu.memory_space<hbm>>
      %dma_start3A_121 = arith.constant 0 : i32
      %dma_start3A_122 = tpu.memref_slice %arg4[%add3A_85, %mul3A_2, %dma_start3A_121] : memref<50x16384x32xf32, #tpu.memory_space<hbm>> -> memref<1x512x32xf32, #tpu.memory_space<hbm>>
      %dma_start3A_123 = tpu.memref_squeeze %dma_start3A_122 : memref<1x512x32xf32, #tpu.memory_space<hbm>> -> memref<512x32xf32, #tpu.memory_space<hbm>>
      %dma_start3A_124 = arith.constant 0 : i32
      %dma_start3A_125 = arith.constant 0 : i32
      %dma_start3A_126 = tpu.memref_slice %arg6[%dma_start3A_113, %dma_start3A_124, %dma_start3A_125] : memref<2x512x32xf32, #tpu.memory_space<vmem>> -> memref<1x512x32xf32, #tpu.memory_space<vmem>>
      %dma_start3A_127 = tpu.memref_squeeze %dma_start3A_126 : memref<1x512x32xf32, #tpu.memory_space<vmem>> -> memref<512x32xf32, #tpu.memory_space<vmem>>
      tpu.enqueue_dma source(%dma_start3A_127 : memref<512x32xf32, #tpu.memory_space<vmem>>) target(%dma_start3A_123 : memref<512x32xf32, #tpu.memory_space<hbm>>) target_semaphore(%arg9 : memref<!tpu.dma_semaphore, #tpu.memory_space<semaphore_mem>>)
    }
    %scan3A_7 = arith.constant 25 : i32
    %dma_wait3A = arith.constant 0 : i32
    %dma_wait3A_8 = arith.constant 0 : i32
    %dma_wait3A_9 = arith.constant 0 : i32
    %dma_wait3A_10 = arith.constant 0 : i32
    %dma_wait3A_11 = tpu.memref_slice %arg6[%dma_wait3A, %dma_wait3A_9, %dma_wait3A_10] : memref<2x512x32xf32, #tpu.memory_space<vmem>> -> memref<1x512x32xf32, #tpu.memory_space<vmem>>
    %dma_wait3A_12 = tpu.memref_squeeze %dma_wait3A_11 : memref<1x512x32xf32, #tpu.memory_space<vmem>> -> memref<512x32xf32, #tpu.memory_space<vmem>>
    %dma_wait3A_13 = arith.constant 0 : i32
    %dma_wait3A_14 = tpu.memref_slice %arg4[%dma_wait3A_8, %mul3A_2, %dma_wait3A_13] : memref<50x16384x32xf32, #tpu.memory_space<hbm>> -> memref<1x512x32xf32, #tpu.memory_space<hbm>>
    %dma_wait3A_15 = tpu.memref_squeeze %dma_wait3A_14 : memref<1x512x32xf32, #tpu.memory_space<hbm>> -> memref<512x32xf32, #tpu.memory_space<hbm>>
    %dma_wait3A_16 = arith.constant 0 : i32
    %dma_wait3A_17 = tpu.memref_slice %arg4[%dma_wait3A_8, %mul3A_2, %dma_wait3A_16] : memref<50x16384x32xf32, #tpu.memory_space<hbm>> -> memref<1x512x32xf32, #tpu.memory_space<hbm>>
    %dma_wait3A_18 = tpu.memref_squeeze %dma_wait3A_17 : memref<1x512x32xf32, #tpu.memory_space<hbm>> -> memref<512x32xf32, #tpu.memory_space<hbm>>
    %dma_wait3A_19 = arith.constant 0 : i32
    %dma_wait3A_20 = arith.constant 0 : i32
    %dma_wait3A_21 = tpu.memref_slice %arg6[%dma_wait3A, %dma_wait3A_19, %dma_wait3A_20] : memref<2x512x32xf32, #tpu.memory_space<vmem>> -> memref<1x512x32xf32, #tpu.memory_space<vmem>>
    %dma_wait3A_22 = tpu.memref_squeeze %dma_wait3A_21 : memref<1x512x32xf32, #tpu.memory_space<vmem>> -> memref<512x32xf32, #tpu.memory_space<vmem>>
    tpu.wait_dma2 semaphore(%arg8 : memref<!tpu.dma_semaphore, #tpu.memory_space<semaphore_mem>>) src(%dma_wait3A_22 : memref<512x32xf32, #tpu.memory_space<vmem>>) dst(%dma_wait3A_18 : memref<512x32xf32, #tpu.memory_space<hbm>>)
    %dma_wait3A_23 = arith.constant 1 : i32
    %dma_wait3A_24 = arith.constant 0 : i32
    %dma_wait3A_25 = arith.constant 0 : i32
    %dma_wait3A_26 = arith.constant 0 : i32
    %dma_wait3A_27 = tpu.memref_slice %arg6[%dma_wait3A_23, %dma_wait3A_25, %dma_wait3A_26] : memref<2x512x32xf32, #tpu.memory_space<vmem>> -> memref<1x512x32xf32, #tpu.memory_space<vmem>>
    %dma_wait3A_28 = tpu.memref_squeeze %dma_wait3A_27 : memref<1x512x32xf32, #tpu.memory_space<vmem>> -> memref<512x32xf32, #tpu.memory_space<vmem>>
    %dma_wait3A_29 = arith.constant 0 : i32
    %dma_wait3A_30 = tpu.memref_slice %arg4[%dma_wait3A_24, %mul3A_2, %dma_wait3A_29] : memref<50x16384x32xf32, #tpu.memory_space<hbm>> -> memref<1x512x32xf32, #tpu.memory_space<hbm>>
    %dma_wait3A_31 = tpu.memref_squeeze %dma_wait3A_30 : memref<1x512x32xf32, #tpu.memory_space<hbm>> -> memref<512x32xf32, #tpu.memory_space<hbm>>
    %dma_wait3A_32 = arith.constant 0 : i32
    %dma_wait3A_33 = tpu.memref_slice %arg4[%dma_wait3A_24, %mul3A_2, %dma_wait3A_32] : memref<50x16384x32xf32, #tpu.memory_space<hbm>> -> memref<1x512x32xf32, #tpu.memory_space<hbm>>
    %dma_wait3A_34 = tpu.memref_squeeze %dma_wait3A_33 : memref<1x512x32xf32, #tpu.memory_space<hbm>> -> memref<512x32xf32, #tpu.memory_space<hbm>>
    %dma_wait3A_35 = arith.constant 0 : i32
    %dma_wait3A_36 = arith.constant 0 : i32
    %dma_wait3A_37 = tpu.memref_slice %arg6[%dma_wait3A_23, %dma_wait3A_35, %dma_wait3A_36] : memref<2x512x32xf32, #tpu.memory_space<vmem>> -> memref<1x512x32xf32, #tpu.memory_space<vmem>>
    %dma_wait3A_38 = tpu.memref_squeeze %dma_wait3A_37 : memref<1x512x32xf32, #tpu.memory_space<vmem>> -> memref<512x32xf32, #tpu.memory_space<vmem>>
    tpu.wait_dma2 semaphore(%arg9 : memref<!tpu.dma_semaphore, #tpu.memory_space<semaphore_mem>>) src(%dma_wait3A_38 : memref<512x32xf32, #tpu.memory_space<vmem>>) dst(%dma_wait3A_34 : memref<512x32xf32, #tpu.memory_space<hbm>>)
    return
  }
}

module attributes {stable_mosaic.version = 14 : i64} {
  func.func @body(%arg0: i32, %arg1: memref<32x32768xf32, #tpu.memory_space<vmem>>, %arg2: memref<8192x128xf32, #tpu.memory_space<vmem>>) attributes {dimension_semantics = [#tpu.dimension_semantics<arbitrary>], iteration_bounds = array<i64: 31>, scalar_prefetch = 0 : i64, scratch_operands = 0 : i64, tpu.core_type = #tpu.core_type<tc>, window_params = [{transform_indices = @transform_0, window_bounds = array<i64: 32, 32768>}, {transform_indices = @transform_1, window_bounds = array<i64: 8192, 128>}]} {
    %get3A = arith.constant 0 : index
    %get3A_0 = arith.constant 0 : index
    %get3A_1 = vector.load %arg1[%get3A, %get3A_0] : memref<32x32768xf32, #tpu.memory_space<vmem>>, vector<32x32768xf32>
    %transpose3A = tpu.transpose %get3A_1, [1, 0] : vector<32x32768xf32> -> vector<32768x32xf32>
    %reshape3A = vector.shape_cast %transpose3A : vector<32768x32xf32> to vector<4x8192x32xf32>
    %slice3A = vector.extract_strided_slice %reshape3A {offsets = [0, 0, 0], sizes = [1, 8192, 32], strides = [1, 1, 1]} : vector<4x8192x32xf32> to vector<1x8192x32xf32>
    %squeeze3A = vector.shape_cast %slice3A : vector<1x8192x32xf32> to vector<8192x32xf32>
    %slice3A_2 = vector.extract_strided_slice %reshape3A {offsets = [1, 0, 0], sizes = [1, 8192, 32], strides = [1, 1, 1]} : vector<4x8192x32xf32> to vector<1x8192x32xf32>
    %squeeze3A_3 = vector.shape_cast %slice3A_2 : vector<1x8192x32xf32> to vector<8192x32xf32>
    %slice3A_4 = vector.extract_strided_slice %reshape3A {offsets = [2, 0, 0], sizes = [1, 8192, 32], strides = [1, 1, 1]} : vector<4x8192x32xf32> to vector<1x8192x32xf32>
    %squeeze3A_5 = vector.shape_cast %slice3A_4 : vector<1x8192x32xf32> to vector<8192x32xf32>
    %slice3A_6 = vector.extract_strided_slice %reshape3A {offsets = [3, 0, 0], sizes = [1, 8192, 32], strides = [1, 1, 1]} : vector<4x8192x32xf32> to vector<1x8192x32xf32>
    %squeeze3A_7 = vector.shape_cast %slice3A_6 : vector<1x8192x32xf32> to vector<8192x32xf32>
    %concatenate3A = tpu.concatenate %squeeze3A, %squeeze3A_3, %squeeze3A_5, %squeeze3A_7 in 1 : vector<8192x32xf32>, vector<8192x32xf32>, vector<8192x32xf32>, vector<8192x32xf32> -> vector<8192x128xf32>
    %swap3A = arith.constant 0 : index
    %swap3A_8 = arith.constant 0 : index
    %swap3A_9 = vector.load %arg2[%swap3A, %swap3A_8] : memref<8192x128xf32, #tpu.memory_space<vmem>>, vector<8192x128xf32>
    tpu.vector_store %arg2[%swap3A, %swap3A_8], %concatenate3A {strides = array<i32>} : memref<8192x128xf32, #tpu.memory_space<vmem>>, vector<8192x128xf32>,
    return
  }
  func.func @transform_0(%arg0: i32) -> (i32, i32) {
    %c0_i32 = arith.constant 0 : i32
    %c0_i32_0 = arith.constant 0 : i32
    return %c0_i32, %arg0 : i32, i32
  }
  func.func @transform_1(%arg0: i32) -> (i32, i32) {
    %c0_i32 = arith.constant 0 : i32
    %c0_i32_0 = arith.constant 0 : i32
    return %arg0, %c0_i32 : i32, i32
  }
}

module attributes {stable_mosaic.version = 14 : i64} {
  func.func @body(%arg0: i32, %arg1: memref<4096x128xf32, #tpu.memory_space<vmem>>, %arg2: memref<1x32x16384xf32, #tpu.memory_space<vmem>>) attributes {dimension_semantics = [#tpu.dimension_semantics<arbitrary>], iteration_bounds = array<i64: 50>, scalar_prefetch = 0 : i64, scratch_operands = 0 : i64, tpu.core_type = #tpu.core_type<tc>, window_params = [{transform_indices = @transform_0, window_bounds = array<i64: 4096, 128>}, {transform_indices = @transform_1, window_bounds = array<i64: 1, 32, 16384>}]} {
    %get3A = arith.constant 0 : index
    %get3A_0 = arith.constant 0 : index
    %get3A_1 = vector.load %arg1[%get3A, %get3A_0] : memref<4096x128xf32, #tpu.memory_space<vmem>>, vector<4096x128xf32>
    %transpose3A = tpu.transpose %get3A_1, [1, 0] : vector<4096x128xf32> -> vector<128x4096xf32>
    %reshape3A = vector.shape_cast %transpose3A : vector<128x4096xf32> to vector<4x32x4096xf32>
    %slice3A = vector.extract_strided_slice %reshape3A {offsets = [0, 0, 0], sizes = [1, 32, 4096], strides = [1, 1, 1]} : vector<4x32x4096xf32> to vector<1x32x4096xf32>
    %squeeze3A = vector.shape_cast %slice3A : vector<1x32x4096xf32> to vector<32x4096xf32>
    %slice3A_2 = vector.extract_strided_slice %reshape3A {offsets = [1, 0, 0], sizes = [1, 32, 4096], strides = [1, 1, 1]} : vector<4x32x4096xf32> to vector<1x32x4096xf32>
    %squeeze3A_3 = vector.shape_cast %slice3A_2 : vector<1x32x4096xf32> to vector<32x4096xf32>
    %slice3A_4 = vector.extract_strided_slice %reshape3A {offsets = [2, 0, 0], sizes = [1, 32, 4096], strides = [1, 1, 1]} : vector<4x32x4096xf32> to vector<1x32x4096xf32>
    %squeeze3A_5 = vector.shape_cast %slice3A_4 : vector<1x32x4096xf32> to vector<32x4096xf32>
    %slice3A_6 = vector.extract_strided_slice %reshape3A {offsets = [3, 0, 0], sizes = [1, 32, 4096], strides = [1, 1, 1]} : vector<4x32x4096xf32> to vector<1x32x4096xf32>
    %squeeze3A_7 = vector.shape_cast %slice3A_6 : vector<1x32x4096xf32> to vector<32x4096xf32>
    %concatenate3A = tpu.concatenate %squeeze3A, %squeeze3A_3, %squeeze3A_5, %squeeze3A_7 in 1 : vector<32x4096xf32>, vector<32x4096xf32>, vector<32x4096xf32>, vector<32x4096xf32> -> vector<32x16384xf32>
    %broadcast_in_dim3A = vector.shape_cast %concatenate3A : vector<32x16384xf32> to vector<1x32x16384xf32>
    %swap3A = arith.constant 0 : index
    %swap3A_8 = arith.constant 0 : index
    %swap3A_9 = arith.constant 0 : index
    %swap3A_10 = vector.load %arg2[%swap3A, %swap3A_8, %swap3A_9] : memref<1x32x16384xf32, #tpu.memory_space<vmem>>, vector<1x32x16384xf32>
    tpu.vector_store %arg2[%swap3A, %swap3A_8, %swap3A_9], %broadcast_in_dim3A {strides = array<i32>} : memref<1x32x16384xf32, #tpu.memory_space<vmem>>, vector<1x32x16384xf32>,
    return
  }
  func.func @transform_0(%arg0: i32) -> (i32, i32) {
    %c0_i32 = arith.constant 0 : i32
    %c0_i32_0 = arith.constant 0 : i32
    return %arg0, %c0_i32 : i32, i32
  }
  func.func @transform_1(%arg0: i32) -> (i32, i32, i32) {
    %c0_i32 = arith.constant 0 : i32
    %c0_i32_0 = arith.constant 0 : i32
    %c0_i32_1 = arith.constant 0 : i32
    return %arg0, %c0_i32, %c0_i32_0 : i32, i32, i32
  }
}

</mosaic_0001>

<sc_bundles>
// kernel: kernel.5.cloned.1.call-start
scs
__scs_entry_jumppad:
0x0: {  	(pc) =	sbr.rel $0x88, $3  }
0x1: {  	(tag) =	ssettag $0x0;
	lr =	simm.s32 $0x1  }
0x2: {  	[smem:$0x3F9F] =	sst lr;
	_ =	strace $0xD0000000  }
0x3: {  	_ = 	snop  }
0x4: {  	_ = 	snop  }
0x5: {  	_ = 	snop  }
0x6: {  	_ = 	snop  }
0x7: {  	_ = 	snop  }
__scs_overlays_trampoline_lowered:
0x8: {  	[smem:$0x3FAE] =	sst s0  }
0x9: {  	[smem:$0x3FAF] =	sst s1  }
0xa: {  	[smem:$0x3FB0] =	sst s2  }
0xb: {  	[smem:$0x3FB1] =	sst s3  }
0xc: {  	[smem:$0x3FB2] =	sst s4  }
0xd: {  	[smem:$0x3FB3] =	sst s5  }
0xe: {  	[smem:$0x3FB4] =	sst s6  }
0xf: {  	[smem:$0x3FB5] =	sst s7  }
0x10: {  	[smem:$0x3FB6] =	sst s8  }
0x11: {  	[smem:$0x3FB7] =	sst s9;
	s0 =	simm.s32 @!p0 $0x0  }
0x12: {  	s1 =	sld [smem:$0x3F9D];
	s0 =	simm.s32 @p0 $0x1  }
0x13: {  	[smem:$0x3FB8] =	sst s0;
	s0 =	simm.s32 @!p1 $0x0  }
0x14: {  	s2 =	sld [smem:$0x3F9C];
	s0 =	simm.s32 @p1 $0x1  }
0x15: {  	[smem:$0x3FB9] =	sst s0;
	s0 =	simm.s32 @!p2 $0x0  }
0x16: {  	s3 =	sld [smem:$0x3FDB];
	s0 =	simm.s32 @p2 $0x1  }
0x17: {  	s4 =	simm.s32 $0x1BF5;
	[smem:$0x3FBB] =	sst s0  }
0x18: {  	s0 =	sld [smem:$0x3F9E];
	_ =	swait.ge [sflag:s4], $0x0  }
0x19: {  	s7 =	sld [smem:$0x3F9F]  }
0x1a: {  	s8 =	sadd.s32 $0xFFFFE003, lr  }
0x1b: {  	s9 =	sadd.s32 $0xFFFFFEF7, lr;
	s5 =	simm.s32 $0xFFFFFFFF;
	p2 =	slt.u32 s8, $0xFFFFF086  }
0x1c: {  	p1 =	slt.u32 s9, $0xF7A;
	s5 =	simm.s32 @!p2 $0x0  }
0x1d: {  	s5 =	simm.s32 @p1 $0x1;
	p0 =	seq.s32 s7, s2  }
0x1e: {  	s7 =	smul.u32 @!p0 $0xF7A, s2;
	p2 =	seq.s32 @!p0 s5, $0x0  }
0x1f: {  	s9 =	smul.u32 $0xF7A, s1;
	s8 =	simm.s32 @!p0 $0x1BF5;
	p2 =	por !p2, p0  }
0x20: {  	[sflag:s8] =	ssyncset.s32 @!p0 $0xFFFFF086;
	s6 =	sadd.s32 @!p0 s3, s7;
	s7 =	simm.s32 @!p0 $0x108  }
0x21: {  	s3 =	sadd.s32 s3, s9;
	s6 =	sadd.s32 @!p0 $0x88, s6;
	s7 =	simm.s32 @p2 $0x1082  }
0x22: {  	[simem:s7], [sflag:s8] =	dma.local @!p0 [hbm:s6], $0xF7A  }
0x23: {  	s9 =	sor.u32 $0xD0000000, s2;
	s6 =	simm.s32 $0x108;
	_ =	swait.ge @!p0 [sflag:s8], $0x0  }
0x24: {  	s3 =	sadd.s32 $0x88, s3;
	s6 =	simm.s32 @!p1 $0x1082;
	[sflag:s4] =	ssyncset.s32 $0xFFFFF086  }
0x25: {  	[simem:s6], [sflag:s4] =	dma.local [hbm:s3], $0xF7A  }
0x26: {  	[smem:$0x3F9F] =	sst s1;
	(tag) =	ssettag s2;
	_ =	strace s9  }
0x27: {  	s1 =	sld [smem:$0x3FAF]  }
0x28: {  	s2 =	sld [smem:$0x3FB0]  }
0x29: {  	s4 =	sld [smem:$0x3FB2]  }
0x2a: {  	p0 =	seq.s32 s5, $0x0;
	s5 =	sld [smem:$0x3FB3]  }
0x2b: {  	s6 =	sld [smem:$0x3FB4]  }
0x2c: {  	s7 =	sld [smem:$0x3FB5]  }
0x2d: {  	s3 =	simm.s32 $0x108;
	s8 =	sld [smem:$0x3FB6]  }
0x2e: {  	s3 =	simm.s32 @!p0 $0x1082;
	s9 =	sld [smem:$0x3FB7]  }
0x2f: {  	lr =	sadd.s32 s0, s3;
	s0 =	sld [smem:$0x3FAE]  }
0x30: {  	s3 =	sld [smem:$0x3FB1]  }
0x31: {  	[smem:$0x3FBA] =	sst s10  }
0x32: {  	s10 =	sld [smem:$0x3FB8];
	_ =	sdelay $0x3  }
0x33: {  	p0 =	seq.s32 s10, $0x1;
	s10 =	sld [smem:$0x3FBA];
	_ =	sdelay $0x3  }
0x34: {  	[smem:$0x3FBA] =	sst s10  }
0x35: {  	s10 =	sld [smem:$0x3FB9];
	_ =	sdelay $0x3  }
0x36: {  	p1 =	seq.s32 s10, $0x1;
	s10 =	sld [smem:$0x3FBA];
	_ =	sdelay $0x3  }
0x37: {  	[smem:$0x3FBA] =	sst s10  }
0x38: {  	s10 =	sld [smem:$0x3FBB]  }
0x39: {  	_ = 	snop;
	(pc) =	sbr.ind lr, $3  }
0x3a: {  	_ = 	snop  }
0x3b: {  	_ = 	snop  }
0x3c: {  	p2 =	seq.s32 s10, $0x1;
	s10 =	sld [smem:$0x3FBA]  }
0x3d: {  	_ =	shalt  }
0x3e: {  	_ =	shalt  }
0x3f: {  	_ =	shalt  }
0x40: {  	_ =	shalt  }
0x41: {  	_ =	shalt  }
0x42: {  	_ =	shalt  }
0x43: {  	_ =	shalt  }
0x44: {  	_ =	shalt  }
0x45: {  	_ =	shalt  }
0x46: {  	_ =	shalt  }
0x47: {  	_ =	shalt  }
0x48: {  	_ =	shalt  }
0x49: {  	_ =	shalt  }
0x4a: {  	_ =	shalt  }
0x4b: {  	_ =	shalt  }
0x4c: {  	_ =	shalt  }
0x4d: {  	_ =	shalt  }
0x4e: {  	_ =	shalt  }
0x4f: {  	_ =	shalt  }
0x50: {  	_ =	shalt  }
0x51: {  	_ =	shalt  }
0x52: {  	_ =	shalt  }
0x53: {  	_ =	shalt  }
0x54: {  	_ =	shalt  }
0x55: {  	_ =	shalt  }
0x56: {  	_ =	shalt  }
0x57: {  	_ =	shalt  }
0x58: {  	_ =	shalt  }
0x59: {  	_ =	shalt  }
0x5a: {  	_ =	shalt  }
0x5b: {  	_ =	shalt  }
0x5c: {  	_ =	shalt  }
0x5d: {  	_ =	shalt  }
0x5e: {  	_ =	shalt  }
0x5f: {  	_ =	shalt  }
0x60: {  	_ =	shalt  }
0x61: {  	_ =	shalt  }
0x62: {  	_ =	shalt  }
0x63: {  	_ =	shalt  }
0x64: {  	_ =	shalt  }
0x65: {  	_ =	shalt  }
0x66: {  	_ =	shalt  }
0x67: {  	_ =	shalt  }
0x68: {  	_ =	shalt  }
0x69: {  	_ =	shalt  }
0x6a: {  	_ =	shalt  }
0x6b: {  	_ =	shalt  }
0x6c: {  	_ =	shalt  }
0x6d: {  	_ =	shalt  }
0x6e: {  	_ =	shalt  }
0x6f: {  	_ =	shalt  }
0x70: {  	_ =	shalt  }
0x71: {  	_ =	shalt  }
0x72: {  	_ =	shalt  }
0x73: {  	_ =	shalt  }
0x74: {  	_ =	shalt  }
0x75: {  	_ =	shalt  }
0x76: {  	_ =	shalt  }
0x77: {  	_ =	shalt  }
0x78: {  	_ =	shalt  }
0x79: {  	_ =	shalt  }
0x7a: {  	_ =	shalt  }
0x7b: {  	_ =	shalt  }
0x7c: {  	_ =	shalt  }
0x7d: {  	_ =	shalt  }
0x7e: {  	_ =	shalt  }
0x7f: {  	_ =	shalt  }
0x80: {  	_ =	shalt  }
0x81: {  	_ =	shalt  }
0x82: {  	_ =	shalt  }
0x83: {  	_ =	shalt  }
0x84: {  	_ =	shalt  }
0x85: {  	_ =	shalt  }
0x86: {  	_ =	shalt  }
0x87: {  	_ =	shalt  }
.Lfunc_end0:
.L_simem_size_0:
called_computation_lowered:
.L_overlay_start_0:
0x88: {  	s2 =	sld [smem:$0x3FD9]  }
0x89: {  	s3 =	sld [smem:$0x3FFE];
	_ =	sdelay $0x1  }
0x8a: {  	s1 =	srdreg.scid  }
0x8b: {  	s0 =	sand.u32 $0x1, s1  }
0x8c: {  	s17 =	sshll.u32 s0, $0xA;
	s2 =	sadd.s32 s3, s2  }
0x8d: {  	s2 =	sadd.s32 s2, s17  }
0x8e: {  	[smem:$0x3FC6] =	sst s2  }
0x8f: {  	_ = 	snop  }
0x90: {  	s2 =	sld [smem:$0x3FD0];
	(tm) =	ssettm $0x1  }
0x91: {  	s18 =	sld [smem:$0x3FFB];
	_ =	sdelay $0x3  }
0x92: {  	_ =	strace s18  }
0x93: {  	s3 =	sld [smem:$0x3FFC];
	_ =	sdelay $0x3  }
0x94: {  	_ =	strace s3  }
0x95: {  	s3 =	sld [smem:$0x3FFD];
	_ =	sdelay $0x3  }
0x96: {  	_ =	strace s3  }
0x97: {  	_ =	strace $0x8FFFFFFF  }
0x98: {  	s19 =	sld [smem:$0x3FDB];
	_ =	sdelay $0x1  }
0x99: {  	s4 =	simm.s32 $_scs_section_size  }
0x9a: {  	s5 =	simm.s32 $_size__tile_overlayer_lowered;
	s6 =	simm.s32 $_tile_overlayer_lowered  }
0x9b: {  	s22 =	simm.s32 $0x1BFF;
	s21 =	sshll.u32 s6, $0x1;
	s3 =	sadd.s32 s4, s19  }
0x9c: {  	s7 =	simm.s32 $0x0;
	s20 =	sshll.u32 s5, $0x1;
	s5 =	sadd.s32 s21, s3  }
0x9d: {  	[timem:s7], [sflag:s22] =	dma.local [hbm:s5], s20  }
0x9e: {  	_ =	swait.ge [sflag:s22], s20  }
0x9f: {  	s4 =	ssub.s32 $0x0, s20;
	[sflag:s22] =	ssyncset.done $0x0  }
0xa0: {  	[sflag:s22] =	ssyncadd.s32 s4;
	_ =	sdelay $0x1  }
0xa1: {  	s23 =	simm.s32 $0x1B8B  }
0xa2: {  	_ =	swait.ge [sflag:s23], $0x1  }
0xa3: {  	[sflag:s23] =	ssyncset.done $0x0  }
0xa4: {  	s25 =	simm.s32 $0x1B8E;
	s24 =	sld [smem:$0x3FFE];
	[sflag:s23] =	ssyncadd.s32 $0xFFFFFFFF  }
0xa5: {  	s26 =	simm.s32 $execute0_lowered;
	[smem:$0x3FD2] =	sst s25  }
0xa6: {  	s5 =	sshll.u32 s26, $0x1;
	_ =	strace $0x80000046;
	[dreg:$0x1] =	wrdreg $0xFFFFFFFF  }
0xa7: {  	s28 =	simm.s32 $_size_execute0_lowered;
	s3 =	sadd.s32 s3, s5;
	[dreg:$0x0] =	wrdreg $0x0  }
0xa8: {  	s5 =	sshll.u32 s28, $0x1;
	[dreg:$0x2] =	wrdreg s3  }
0xa9: {  	[dreg:$0x3] =	wrdreg s5  }
0xaa: {  	[dreg:$0x4] =	wrdreg $0xC0  }
0xab: {  	_ =	task [dreg:s7], $0x5FFFF  }
0xac: {  	[dreg:$0x1] =	wrdreg $0xFFFFFFFF  }
0xad: {  	[dreg:$0x0] =	wrdreg $0x60  }
0xae: {  	[dreg:$0x2] =	wrdreg s2  }
0xaf: {  	[dreg:$0x3] =	wrdreg s24  }
0xb0: {  	[dreg:$0x4] =	wrdreg $0x9  }
0xb1: {  	_ =	task.clear_ibuf [dreg:s7], $0x5FFFF;
	_ =	strace $0x90000046  }
0xb2: {  	s29 =	simm.s32 $0x9;
	_ =	strace $0x80000048  }
0xb3: {  	_ =	swait.ge [sflag:s29], $0x1  }
0xb4: {  	[sflag:s29] =	ssyncadd.s32 $0xFFFFFFFF  }
0xb5: {  	_ =	strace $0x90000048  }
0xb6: {  	_ =	sfence  }
0xb7: {  	s30 =	sld [smem:$0x0];
	_ =	sdelay $0x2  }
0xb8: {  	s31 =	sshll.u32 s1, $0xD;
	s1 =	sshrl.u32 s1, $0x2  }
0xb9: {  	s3 =	sand.u32 $0x4000, s31;
	s1 =	sadd.s32 s1, s30  }
0xba: {  	s0 =	sor.u32 s3, s0;
	s1 =	sshll.u32 s1, $0x11  }
0xbb: {  	s0 =	sor.u32 s1, s0  }
0xbc: {  	s0 =	sadd.s32 $0x8F2B, s0  }
0xbd: {  	[sflag:s0] =	ssyncadd.remote.s32 $0x1  }
0xbe: {  	_ =	sfence.sel $0xFFFF  }
0xbf: {  	[dreg:$0x0] =	wrdreg $0xFFFFFFFF;
	(pc) =	sbr.abs _section_cstart, $3  }
0xc0: {  	[dreg:$0x1] =	wrdreg $0xFFFFFFFF  }
0xc1: {  	_ =	task.clear_ibuf [dreg:s7], $0x2FFFF;
	_ =	strace $0x9FFFFFFF  }
0xc2: {  	(tm) =	ssettm $0x7FFFFFFF  }
0xc3: {  	_ =	shalt  }
tec
execute0_lowered:
.L_overlay_start_1:
0x0: {  	(tag) =	ssettag $0x1  }
0x1: {  	s5 =	rddreg [dreg:$0x0]  }
0x2: {  	s2 =	rddreg [dreg:$0x1]  }
0x3: {  	s0 =	rddreg [dreg:$0x2]  }
0x4: {  	s1 =	simm.s32 $0x0;
	s4 =	srdreg.scid;
	s12 =	simm.s32 $0x4000  }
0x5: {  	s13 =	simm.s32 $0x4;
	s14 =	simm.s32 $0x6400;
	s15 =	simm.s32 $0x1  }
0x6: {  	s16 =	simm.s32 $0xA400;
	s17 =	simm.s32 $0x2;
	s18 =	simm.s32 $0x3  }
0x7: {  	s19 =	simm.s32 $0x0;
	[smem:$0x7FF] =	sst s1;
	s3 =	sadd.s32 $0x400, s2  }
0x8: {  	s6 =	sand.u32 $0x1, s4;
	s4 =	sadd.s32 $0x3E0400, s2;
	s2 =	stileid.u32  }
0x9: {  	_ =	strace $0x80000047;
	s7 =	ssub.s32 $0x2, s6;
	s9 =	sshll.u32 s2, $0xA  }
0xa: {  	s10 =	sshll.u32 s6, $0x9;
	s28 =	sshll.u32 s2, $0xF;
	s6 =	sshll.u32 s6, $0xE  }
0xb: {  	s8 =	sshrl.u32 s7, $0x1;
	s9 =	sor.u32 s10, s9;
	s10 =	sor.u32 s6, s28  }
0xc: {  	s7 =	ssub.s32 s7, s8;
	s29 =	sshrl.u32 s9, $0x3;
	s30 =	sshll.u32 s9, $0x2  }
0xd: {  	s31 =	sor.u32 $0x180000, s10;
	s9 =	sor.u32 $0x100000, s10;
	s5 =	sadd.s32 s5, s29  }
0xe: {  	s6 =	smax.u32 s7, $0x1;
	s7 =	sadd.s32 s4, s30;
	s11 =	sshrl.u32 s31, $0x3  }
0xf: {  	s8 =	sadd.s32 $0x10000, s7;
	s10 =	sadd.s32 s11, s4;
	s11 =	simm.s32 $0x200  }
.LBB2_1:
0x10: {  	[tilespmem:s1], [sflag:$0x4] =	stream.strided.gather [hbm4b:s5+s11], $0x6400, s12, s11, $0x38;
	[tilespmem:$0xE400] =	vst v63  }
0x11: {  	_ =	swait.ge [sflag:s13], $0x6400  }
0x12: {  	[sflag:s13] =	ssyncset.done $0x0  }
0x13: {  	[sflag:s13] =	ssyncadd.s32 $0xFFFF9C00  }
0x14: {  	[tilespmem:s14], [sflag:$0x1] =	stream.indirect.gather [hbm4b:s3+s11], $0x20, s1, s11, $0xb8;
	[tilespmem:$0xE400] =	vst v63  }
0x15: {  	_ =	swait.ge [sflag:s15], $0x4000  }
0x16: {  	[sflag:s15] =	ssyncset.done $0x0  }
0x17: {  	[sflag:s15] =	ssyncadd.s32 $0xFFFFC000  }
0x18: {  	[hbm4b:s7+s1] =	stream.linear.scatter [tilespmem:s14], [sflag:$0x2], $0x4000, $0x38;
	[tilespmem:$0xE400] =	vst v63  }
0x19: {  	_ = 	snop  }
0x1a: {  	[tilespmem:s16], [sflag:$0x1] =	stream.indirect.gather [hbm4b:s3+s11], $0x20, s11, s11, $0xb8;
	[tilespmem:$0xE400] =	vst v63  }
0x1b: {  	_ =	swait.ge [sflag:s15], $0x4000  }
0x1c: {  	[sflag:s15] =	ssyncset.done $0x0  }
0x1d: {  	[sflag:s15] =	ssyncadd.s32 $0xFFFFC000  }
0x1e: {  	[hbm4b:s8+s1] =	stream.linear.scatter [tilespmem:s16], [sflag:$0x3], $0x4000, $0x38;
	[tilespmem:$0xE400] =	vst v63  }
0x1f: {  	_ =	swait.ge [sflag:s17], $0x4000  }
0x20: {  	[sflag:s17] =	ssyncset.done $0x0  }
0x21: {  	s20 =	simm.s32 $0x400;
	[sflag:s17] =	ssyncadd.s32 $0xFFFFC000  }
0x22: {  	[tilespmem:s14], [sflag:$0x1] =	stream.indirect.gather [hbm4b:s3+s11], $0x20, s20, s11, $0xb8;
	[tilespmem:$0xE400] =	vst v63  }
0x23: {  	_ =	swait.ge [sflag:s15], $0x4000  }
0x24: {  	s30 =	sshrl.u32 s9, $0x3;
	[sflag:s15] =	ssyncset.done $0x0  }
0x25: {  	s20 =	sadd.s32 s4, s30;
	[sflag:s15] =	ssyncadd.s32 $0xFFFFC000  }
0x26: {  	[hbm4b:s20+s1] =	stream.linear.scatter [tilespmem:s14], [sflag:$0x2], $0x4000, $0x38;
	[tilespmem:$0xE400] =	vst v63  }
0x27: {  	_ =	swait.ge [sflag:s18], $0x4000  }
0x28: {  	[sflag:s18] =	ssyncset.done $0x0  }
0x29: {  	s31 =	simm.s32 $0x600;
	[sflag:s18] =	ssyncadd.s32 $0xFFFFC000  }
0x2a: {  	[tilespmem:s16], [sflag:$0x1] =	stream.indirect.gather [hbm4b:s3+s11], $0x20, s31, s11, $0xb8;
	[tilespmem:$0xE400] =	vst v63  }
0x2b: {  	_ =	swait.ge [sflag:s15], $0x4000  }
0x2c: {  	s21 =	simm.s32 $0x800;
	s23 =	sadd.s32 $0x0, s10;
	[sflag:s15] =	ssyncset.done $0x0  }
0x2d: {  	s22 =	sadd.s32 $0x100000, s9;
	s20 =	simm.s32 $0x20000;
	[sflag:s15] =	ssyncadd.s32 $0xFFFFC000  }
.LBB2_2:
0x2e: {  	[hbm4b:s23+s1] =	stream.linear.scatter [tilespmem:s16], [sflag:$0x3], $0x4000, $0x38;
	[tilespmem:$0xE400] =	vst v63  }
0x2f: {  	s23 =	smov.u32 s20  }
0x30: {  	p0 =	sne.s32 s20, $0x2E0000;
	s20 =	sadd.s32 $0x20000, s20;
	_ =	swait.ge [sflag:s17], $0x4000  }
0x31: {  	[sflag:s17] =	ssyncset.done $0x0  }
0x32: {  	[sflag:s17] =	ssyncadd.s32 $0xFFFFC000  }
0x33: {  	[tilespmem:s14], [sflag:$0x1] =	stream.indirect.gather [hbm4b:s3+s11], $0x20, s21, s11, $0xb8;
	[tilespmem:$0xE400] =	vst v63  }
0x34: {  	_ =	swait.ge [sflag:s15], $0x4000  }
0x35: {  	s24 =	sshrl.u32 s22, $0x3;
	[sflag:s15] =	ssyncset.done $0x0  }
0x36: {  	s24 =	sadd.s32 s4, s24;
	[sflag:s15] =	ssyncadd.s32 $0xFFFFC000  }
0x37: {  	[hbm4b:s24+s1] =	stream.linear.scatter [tilespmem:s14], [sflag:$0x2], $0x4000, $0x38;
	[tilespmem:$0xE400] =	vst v63  }
0x38: {  	_ =	swait.ge [sflag:s18], $0x4000  }
0x39: {  	[sflag:s18] =	ssyncset.done $0x0  }
.Ltmp0:
0x3a: {  	s24 =	sadd.s32 $0x200, s21;
	[sflag:s18] =	ssyncadd.s32 $0xFFFFC000;
	(pc) =	sbr.rel @p0 .LBB2_2-.Ltmp0, $4  }
0x3b: {  	[tilespmem:s16], [sflag:$0x1] =	stream.indirect.gather [hbm4b:s3+s11], $0x20, s24, s11, $0xb8;
	[tilespmem:$0xE400] =	vst v63  }
0x3c: {  	_ =	swait.ge [sflag:s15], $0x4000  }
0x3d: {  	s21 =	sadd.s32 $0x400, s21;
	[sflag:s15] =	ssyncset.done $0x0  }
0x3e: {  	s22 =	sadd.s32 $0x100000, s22;
	s23 =	sadd.s32 s23, s10;
	[sflag:s15] =	ssyncadd.s32 $0xFFFFC000  }
0x3f: {  	[hbm4b:s23+s1] =	stream.linear.scatter [tilespmem:s16], [sflag:$0x3], $0x4000, $0x38;
	[tilespmem:$0xE400] =	vst v63  }
0x40: {  	s19 =	sadd.s32 $0x1, s19  }
0x41: {  	_ =	swait.ge [sflag:s17], $0x4000;
	p0 =	sne.s32 s19, s6  }
.Ltmp1:
0x42: {  	[sflag:s17] =	ssyncset.done $0x0;
	(pc) =	sbr.rel @p0 .LBB2_1-.Ltmp1, $4  }
0x43: {  	[sflag:s17] =	ssyncadd.s32 $0xFFFFC000  }
0x44: {  	_ =	swait.ge [sflag:s18], $0x4000  }
0x45: {  	[sflag:s18] =	ssyncset.done $0x0  }
0x46: {  	[sflag:s18] =	ssyncadd.s32 $0xFFFFC000  }
0x47: {  	_ =	sfence.sel $0x180000  }
0x48: {  	[bflag:$0x0] =	sbarrier.arrive $0xFFFF  }
0x49: {  	p0 =	sne.s32 s2, $0x0;
	_ =	strace $0x90000047  }
0x4a: {  	s0 =	sadd.s32 @!p0 $0x100000, s0;
	[bflag:$0x2] =	sbarrier.arrive $0xFFFF  }
0x4b: {  	[sflag:s0] =	ssyncadd.tile.s32 @!p0 $0x1;
	_ =	shalt  }
.Lfunc_end2:
_tile_overlayer_lowered:
.L_overlay_start_2:
0x4c: {  	(tag) =	ssettag $0x2  }
0x4d: {  	s0 =	rddreg [dreg:$0x0];
	s2 =	stileid.u32  }
0x4e: {  	s1 =	rddreg [dreg:$0x1];
	p0 =	sne.s32 s2, $0x0  }
0x4f: {  	s3 =	rddreg [dreg:$0x2];
	[bflag:$0x3] =	sbarrier.arrive $0xFFFF;
	s2 =	simm.s32 @!p0 $0x1C04  }
0x50: {  	[timem:s3], [sflag:s2] =	dma.local @!p0 [hbm:s0], s1  }
0x51: {  	s0 =	simm.s32 @!p0 $0x4  }
0x52: {  	_ =	swait.ge @!p0 [sflag:s0], s1  }
0x53: {  	s1 =	ssub.s32 @!p0 $0x0, s1;
	[sflag:s0] =	ssyncset.done @!p0 $0x0  }
0x54: {  	[sflag:s0] =	ssyncadd.s32 @!p0 s1  }
0x55: {  	[bflag:$0x3] =	sbarrier.arrive $0xFFFF  }
0x56: {  	_ =	shalt  }

</sc_bundles>
